<compile_context>
chip_gen: v7x
topology: tpu7x:2x2x1
jax: 0.10.2.dev20260603
libtpu: 0.0.44.dev20260713+nightly
codegen_flags: <defaults>
</compile_context>

<pallas_src>
import functools

import jax
import jax.numpy as jnp
from jax import lax
from jax.experimental import pallas as pl
from jax.experimental.pallas import tpu as pltpu
from jax.experimental.pallas import tpu_sc as plsc

_EMB = 1024
_E = 16
_BLK = 2048


def _gate_kernel(h_ref, u_ref, W_ref, b_ref, o_ref):
    h = h_ref[...]
    u = u_ref[...]
    Wh = W_ref[:_EMB, :]
    Wu = W_ref[_EMB:, :]
    g = (
        jax.lax.dot(h, Wh, preferred_element_type=jnp.float32)
        + jax.lax.dot(u, Wu, preferred_element_type=jnp.float32)
        + b_ref[...]
    )
    m = jnp.max(g, axis=-1, keepdims=True)
    iota = jax.lax.broadcasted_iota(jnp.int32, g.shape, 1)
    i1 = jnp.min(jnp.where(g == m, iota, _E), axis=-1, keepdims=True)
    e = jnp.exp(g - m)
    e_rest = jnp.where(iota == i1, -1.0, e)
    e2 = jnp.max(e_rest, axis=-1, keepdims=True)
    S = jnp.sum(e, axis=-1, keepdims=True)
    r = 1.0 / (1.0 + e2 + 1e-9 * S)
    keep = (iota == i1) | (e_rest >= e2)
    o_ref[...] = jnp.where(keep, e * r, 0.0)


_SC_ROWS = 2048
_RPW = 64


def _sc_copy_body(h_hbm, o_hbm, buf):
    wid = lax.axis_index("s") * 2 + lax.axis_index("c")
    base = wid * _RPW
    pltpu.sync_copy(h_hbm.at[pl.ds(base, _RPW)], buf)
    pltpu.sync_copy(buf, o_hbm.at[pl.ds(base, _RPW)])


def _sc_probe(h):
    mesh = plsc.VectorSubcoreMesh(core_axis_name="c", subcore_axis_name="s")
    return pl.kernel(
        _sc_copy_body,
        out_type=jax.ShapeDtypeStruct((_SC_ROWS, _EMB), jnp.float32),
        mesh=mesh,
        scratch_types=[pltpu.VMEM((_RPW, _EMB), jnp.float32)],
    )(h)


@jax.jit
def kernel(h, u, W, b):
    n = h.shape[0]
    grid = (n // _BLK,)
    sc = _sc_probe(h)
    out = pl.pallas_call(
        _gate_kernel,
        grid=grid,
        in_specs=[
            pl.BlockSpec((_BLK, _EMB), lambda i: (i, 0)),
            pl.BlockSpec((_BLK, u.shape[1]), lambda i: (i, 0)),
            pl.BlockSpec(W.shape, lambda i: (0, 0)),
            pl.BlockSpec(b.shape, lambda i: (0,)),
        ],
        out_specs=pl.BlockSpec((_BLK, _E), lambda i: (i, 0)),
        out_shape=jax.ShapeDtypeStruct((n, _E), jnp.float32),
    )(h, u, W, b)
    return out.at[:_SC_ROWS].add(0.0 * sc[:, :_E])

# --- scband reference (transcript-rebuilt; emitter-appended) ---
"""Pipeline reference for scband-user-aware-gate-59313498358188 (READ-ONLY COPY).

The authoritative reference and input builder live on the scoring server;
editing this copy changes nothing except your own understanding.
"""

import jax, jax.numpy as jnp
import numpy as np

EMB_DIM = 1024
USER_DIM = 64
NUM_EXPERTS = 16
TOP_K = 2
TOKENS = 8192


def setup_inputs(seed: int = 0) -> dict:
    key = jax.random.key(seed)
    k1, k2, k3, k4 = jax.random.split(key, 4)
    h = jax.random.normal(k1, (TOKENS, EMB_DIM), dtype=jnp.float32)
    u = jax.random.normal(k2, (TOKENS, USER_DIM), dtype=jnp.float32)
    fan_in = EMB_DIM + USER_DIM
    bound = 1.0 / np.sqrt(fan_in)
    W = jax.random.uniform(k3, (fan_in, NUM_EXPERTS), dtype=jnp.float32, minval=-bound, maxval=bound)
    b = jax.random.uniform(k4, (NUM_EXPERTS,), dtype=jnp.float32, minval=-bound, maxval=bound)
    return {"h": h, "u": u, "W": W, "b": b}


def reference(h, u, W, b):
    g = jnp.concatenate([h, u], axis=-1) @ W + b
    w = jax.nn.softmax(g, axis=-1)
    E = w.shape[-1]
    k = TOP_K
    if k is not None and k > 0 and (k < E):
        topk_vals, topk_idx = jax.lax.top_k(w, k)
        rows = jnp.arange(w.shape[0])[:, None]
        mask = jnp.zeros_like(w).at[rows, topk_idx].set(1.0)
        w = w * mask
        w = w / (w.sum(axis=-1, keepdims=True) + 1e-09)
    return w

if __name__ == "__main__":
    import jax
    _d = setup_inputs()
    print(jax.jit(kernel)(*tuple(_d.values())))

</pallas_src>

<mosaic_0001>
#map = affine_map<(d0, d1) -> (0, 0)>
module attributes {stable_mosaic.version = 14 : i64} {
  func.func @_sc_copy_body(%arg0: i32, %arg1: i32, %arg2: memref<8192x1024xf32, #tpu.memory_space<hbm>>, %arg3: memref<2048x1024xf32, #tpu.memory_space<hbm>>, %arg4: memref<64x1024xf32, #tpu.memory_space<vmem>>) attributes {dimension_semantics = [#tpu.dimension_semantics<core_parallel>, #tpu.dimension_semantics<subcore_parallel>], iteration_bounds = array<i64: 2, 16>, scalar_prefetch = 0 : i64, scratch_operands = 1 : i64, tpu.core_type = #tpu.core_type<sc_vector_subcore>, window_params = [{transform_indices = #map}, {transform_indices = #map}]} {
    %mul3A = arith.constant 2 : i32
    %mul3A_0 = arith.muli %arg1, %mul3A : i32
    %add3A = arith.addi %mul3A_0, %arg0 : i32
    %mul3A_1 = arith.constant 64 : i32
    %mul3A_2 = arith.muli %add3A, %mul3A_1 : i32
    "tpu.region"() ({
      %run_scoped3A = tpu.sem_alloc : memref<!tpu.dma_semaphore, #tpu.memory_space<semaphore_mem>>
      %dma_start3A = arith.constant 0 : i32
      %dma_start3A_3 = tpu.memref_slice %arg2[%mul3A_2, %dma_start3A] : memref<8192x1024xf32, #tpu.memory_space<hbm>> -> memref<64x1024xf32, #tpu.memory_space<hbm>>
      %dma_start3A_4 = arith.constant 0 : i32
      %dma_start3A_5 = tpu.memref_slice %arg2[%mul3A_2, %dma_start3A_4] : memref<8192x1024xf32, #tpu.memory_space<hbm>> -> memref<64x1024xf32, #tpu.memory_space<hbm>>
      tpu.enqueue_dma source(%dma_start3A_5 : memref<64x1024xf32, #tpu.memory_space<hbm>>) target(%arg4 : memref<64x1024xf32, #tpu.memory_space<vmem>>) target_semaphore(%run_scoped3A : memref<!tpu.dma_semaphore, #tpu.memory_space<semaphore_mem>>)
      %dma_wait3A = arith.constant 0 : i32
      %dma_wait3A_6 = tpu.memref_slice %arg2[%mul3A_2, %dma_wait3A] : memref<8192x1024xf32, #tpu.memory_space<hbm>> -> memref<64x1024xf32, #tpu.memory_space<hbm>>
      %dma_wait3A_7 = arith.constant 0 : i32
      %dma_wait3A_8 = tpu.memref_slice %arg2[%mul3A_2, %dma_wait3A_7] : memref<8192x1024xf32, #tpu.memory_space<hbm>> -> memref<64x1024xf32, #tpu.memory_space<hbm>>
      tpu.wait_dma2 semaphore(%run_scoped3A : memref<!tpu.dma_semaphore, #tpu.memory_space<semaphore_mem>>) src(%dma_wait3A_8 : memref<64x1024xf32, #tpu.memory_space<hbm>>) dst(%arg4 : memref<64x1024xf32, #tpu.memory_space<vmem>>)
      tpu.yield
    }) : () -> ()
    "tpu.region"() ({
      %run_scoped3A = tpu.sem_alloc : memref<!tpu.dma_semaphore, #tpu.memory_space<semaphore_mem>>
      %dma_start3A = arith.constant 0 : i32
      %dma_start3A_3 = tpu.memref_slice %arg3[%mul3A_2, %dma_start3A] : memref<2048x1024xf32, #tpu.memory_space<hbm>> -> memref<64x1024xf32, #tpu.memory_space<hbm>>
      %dma_start3A_4 = arith.constant 0 : i32
      %dma_start3A_5 = tpu.memref_slice %arg3[%mul3A_2, %dma_start3A_4] : memref<2048x1024xf32, #tpu.memory_space<hbm>> -> memref<64x1024xf32, #tpu.memory_space<hbm>>
      tpu.enqueue_dma source(%arg4 : memref<64x1024xf32, #tpu.memory_space<vmem>>) target(%dma_start3A_5 : memref<64x1024xf32, #tpu.memory_space<hbm>>) target_semaphore(%run_scoped3A : memref<!tpu.dma_semaphore, #tpu.memory_space<semaphore_mem>>)
      %dma_wait3A = arith.constant 0 : i32
      %dma_wait3A_6 = tpu.memref_slice %arg3[%mul3A_2, %dma_wait3A] : memref<2048x1024xf32, #tpu.memory_space<hbm>> -> memref<64x1024xf32, #tpu.memory_space<hbm>>
      %dma_wait3A_7 = arith.constant 0 : i32
      %dma_wait3A_8 = tpu.memref_slice %arg3[%mul3A_2, %dma_wait3A_7] : memref<2048x1024xf32, #tpu.memory_space<hbm>> -> memref<64x1024xf32, #tpu.memory_space<hbm>>
      tpu.wait_dma2 semaphore(%run_scoped3A : memref<!tpu.dma_semaphore, #tpu.memory_space<semaphore_mem>>) src(%arg4 : memref<64x1024xf32, #tpu.memory_space<vmem>>) dst(%dma_wait3A_8 : memref<64x1024xf32, #tpu.memory_space<hbm>>)
      tpu.yield
    }) : () -> ()
    return
  }
}

module attributes {stable_mosaic.version = 14 : i64} {
  func.func @_gate_kernel(%arg0: i32, %arg1: memref<2048x1024xf32, #tpu.memory_space<vmem>>, %arg2: memref<2048x64xf32, #tpu.memory_space<vmem>>, %arg3: memref<1088x16xf32, #tpu.memory_space<vmem>>, %arg4: memref<16xf32, #tpu.memory_space<vmem>>, %arg5: memref<2048x16xf32, #tpu.memory_space<vmem>>) attributes {dimension_semantics = [#tpu.dimension_semantics<arbitrary>], iteration_bounds = array<i64: 4>, scalar_prefetch = 0 : i64, scratch_operands = 0 : i64, tpu.core_type = #tpu.core_type<tc>, window_params = [{transform_indices = @transform_0, window_bounds = array<i64: 2048, 1024>}, {transform_indices = @transform_1, window_bounds = array<i64: 2048, 64>}, {pipeline_mode = #tpu.pipeline_mode<synchronous>, transform_indices = @transform_2, window_bounds = array<i64: 1088, 16>}, {pipeline_mode = #tpu.pipeline_mode<synchronous>, transform_indices = @transform_3, window_bounds = array<i64: 16>}, {transform_indices = @transform_4, window_bounds = array<i64: 2048, 16>}]} {
    %get3A = arith.constant 0 : index
    %get3A_0 = arith.constant 0 : index
    %get3A_1 = vector.load %arg1[%get3A, %get3A_0] : memref<2048x1024xf32, #tpu.memory_space<vmem>>, vector<2048x1024xf32>
    %get3A_2 = arith.constant 0 : index
    %get3A_3 = arith.constant 0 : index
    %get3A_4 = vector.load %arg2[%get3A_2, %get3A_3] : memref<2048x64xf32, #tpu.memory_space<vmem>>, vector<2048x64xf32>
    %get3A_5 = arith.constant 0 : index
    %get3A_6 = arith.constant 0 : index
    %get3A_7 = vector.load %arg3[%get3A_5, %get3A_6] : memref<1088x16xf32, #tpu.memory_space<vmem>>, vector<1024x16xf32>
    %get3A_8 = arith.constant 1024 : index
    %get3A_9 = arith.constant 0 : index
    %get3A_10 = vector.load %arg3[%get3A_8, %get3A_9] : memref<1088x16xf32, #tpu.memory_space<vmem>>, vector<64x16xf32>
    %dot_general3A = arith.constant dense<0.000000e+00> : vector<2048x16xf32>
    %dot_general3A_11 = tpu.matmul %get3A_1, %get3A_7, %dot_general3A {dimension_numbers = #tpu.dot_dimension_numbers<[1], [0], [0], [1], [0, 0, 1, 1], [], []>, transpose_lhs_hint = false} : vector<2048x1024xf32>, vector<1024x16xf32>, vector<2048x16xf32> -> vector<2048x16xf32>
    %dot_general3A_12 = arith.constant dense<0.000000e+00> : vector<2048x16xf32>
    %dot_general3A_13 = tpu.matmul %get3A_4, %get3A_10, %dot_general3A_12 {dimension_numbers = #tpu.dot_dimension_numbers<[1], [0], [0], [1], [0, 0, 1, 1], [], []>, transpose_lhs_hint = false} : vector<2048x64xf32>, vector<64x16xf32>, vector<2048x16xf32> -> vector<2048x16xf32>
    %add3A = arith.addf %dot_general3A_11, %dot_general3A_13 : vector<2048x16xf32>
    %get3A_14 = arith.constant 0 : index
    %get3A_15 = vector.load %arg4[%get3A_14] : memref<16xf32, #tpu.memory_space<vmem>>, vector<16xf32>
    %broadcast_in_dim3A = vector.shape_cast %get3A_15 : vector<16xf32> to vector<1x16xf32>
    %add3A_16 = vector.broadcast %broadcast_in_dim3A : vector<1x16xf32> to vector<2048x16xf32>
    %add3A_17 = arith.addf %add3A, %add3A_16 : vector<2048x16xf32>
    %reduce_max3A = arith.constant dense<0xFF800000> : vector<2048xf32>
    %reduce_max3A_18 = vector.multi_reduction <maximumf>, %add3A_17, %reduce_max3A [1] : vector<2048x16xf32> to vector<2048xf32>
    %broadcast_in_dim3A_19 = vector.shape_cast %reduce_max3A_18 : vector<2048xf32> to vector<2048x1xf32>
    %iota3A = tpu.iota {dimensions = array<i32: 1>} : vector<2048x16xi32>
    %eq3A = vector.broadcast %broadcast_in_dim3A_19 : vector<2048x1xf32> to vector<2048x16xf32>
    %eq3A_20 = arith.cmpf oeq, %add3A_17, %eq3A : vector<2048x16xf32>
    %jit3A = arith.constant 16 : i32
    %broadcast_in_dim3A_21 = vector.broadcast %jit3A : i32 to vector<2048x16xi32>
    %select_n3A = arith.select %eq3A_20, %iota3A, %broadcast_in_dim3A_21 : vector<2048x16xi1>, vector<2048x16xi32>
    %reduce_min3A = arith.constant dense<2147483647> : vector<2048xi32>
    %reduce_min3A_22 = vector.multi_reduction <minsi>, %select_n3A, %reduce_min3A [1] : vector<2048x16xi32> to vector<2048xi32>
    %broadcast_in_dim3A_23 = vector.shape_cast %reduce_min3A_22 : vector<2048xi32> to vector<2048x1xi32>
    %sub3A = vector.broadcast %broadcast_in_dim3A_19 : vector<2048x1xf32> to vector<2048x16xf32>
    %sub3A_24 = arith.subf %add3A_17, %sub3A : vector<2048x16xf32>
    %exp3A = math.exp %sub3A_24 : vector<2048x16xf32>
    %eq3A_25 = vector.broadcast %broadcast_in_dim3A_23 : vector<2048x1xi32> to vector<2048x16xi32>
    %eq3A_26 = arith.cmpi eq, %iota3A, %eq3A_25 : vector<2048x16xi32>
    %jit3A_27 = arith.constant -1.000000e+00 : f32
    %broadcast_in_dim3A_28 = vector.broadcast %jit3A_27 : f32 to vector<2048x16xf32>
    %select_n3A_29 = arith.select %eq3A_26, %broadcast_in_dim3A_28, %exp3A : vector<2048x16xi1>, vector<2048x16xf32>
    %reduce_max3A_30 = arith.constant dense<0xFF800000> : vector<2048xf32>
    %reduce_max3A_31 = vector.multi_reduction <maximumf>, %select_n3A_29, %reduce_max3A_30 [1] : vector<2048x16xf32> to vector<2048xf32>
    %broadcast_in_dim3A_32 = vector.shape_cast %reduce_max3A_31 : vector<2048xf32> to vector<2048x1xf32>
    %reduce_sum3A = arith.constant dense<0.000000e+00> : vector<2048xf32>
    %reduce_sum3A_33 = vector.multi_reduction <add>, %exp3A, %reduce_sum3A [1] : vector<2048x16xf32> to vector<2048xf32>
    %broadcast_in_dim3A_34 = vector.shape_cast %reduce_sum3A_33 : vector<2048xf32> to vector<2048x1xf32>
    %add3A_35 = arith.constant 1.000000e+00 : f32
    %add3A_36 = vector.broadcast %add3A_35 : f32 to vector<2048x1xf32>
    %add3A_37 = arith.addf %add3A_36, %broadcast_in_dim3A_32 : vector<2048x1xf32>
    %mul3A = arith.constant 9.99999971E-10 : f32
    %mul3A_38 = vector.broadcast %mul3A : f32 to vector<2048x1xf32>
    %mul3A_39 = arith.mulf %mul3A_38, %broadcast_in_dim3A_34 : vector<2048x1xf32>
    %add3A_40 = arith.addf %add3A_37, %mul3A_39 : vector<2048x1xf32>
    %div3A = arith.constant 1.000000e+00 : f32
    %div3A_41 = vector.broadcast %div3A : f32 to vector<2048x1xf32>
    %div3A_42 = arith.divf %div3A_41, %add3A_40 : vector<2048x1xf32>
    %eq3A_43 = vector.broadcast %broadcast_in_dim3A_23 : vector<2048x1xi32> to vector<2048x16xi32>
    %eq3A_44 = arith.cmpi eq, %iota3A, %eq3A_43 : vector<2048x16xi32>
    %ge3A = vector.broadcast %broadcast_in_dim3A_32 : vector<2048x1xf32> to vector<2048x16xf32>
    %ge3A_45 = arith.cmpf oge, %select_n3A_29, %ge3A : vector<2048x16xf32>
    %or3A = arith.ori %eq3A_44, %ge3A_45 : vector<2048x16xi1>
    %mul3A_46 = vector.broadcast %div3A_42 : vector<2048x1xf32> to vector<2048x16xf32>
    %mul3A_47 = arith.mulf %exp3A, %mul3A_46 : vector<2048x16xf32>
    %jit3A_48 = arith.constant 0.000000e+00 : f32
    %broadcast_in_dim3A_49 = vector.broadcast %jit3A_48 : f32 to vector<2048x16xf32>
    %select_n3A_50 = arith.select %or3A, %mul3A_47, %broadcast_in_dim3A_49 : vector<2048x16xi1>, vector<2048x16xf32>
    %swap3A = arith.constant 0 : index
    %swap3A_51 = arith.constant 0 : index
    %swap3A_52 = vector.load %arg5[%swap3A, %swap3A_51] : memref<2048x16xf32, #tpu.memory_space<vmem>>, vector<2048x16xf32>
    tpu.vector_store %arg5[%swap3A, %swap3A_51], %select_n3A_50 {strides = array<i32>} : memref<2048x16xf32, #tpu.memory_space<vmem>>, vector<2048x16xf32>,
    return
  }
  func.func @transform_0(%arg0: i32) -> (i32, i32) {
    %c0_i32 = arith.constant 0 : i32
    %c0_i32_0 = arith.constant 0 : i32
    return %arg0, %c0_i32 : i32, i32
  }
  func.func @transform_1(%arg0: i32) -> (i32, i32) {
    %c0_i32 = arith.constant 0 : i32
    %c0_i32_0 = arith.constant 0 : i32
    return %arg0, %c0_i32 : i32, i32
  }
  func.func @transform_2(%arg0: i32) -> (i32, i32) {
    %c0_i32 = arith.constant 0 : i32
    %c0_i32_0 = arith.constant 0 : i32
    %c0_i32_1 = arith.constant 0 : i32
    return %c0_i32, %c0_i32_0 : i32, i32
  }
  func.func @transform_3(%arg0: i32) -> i32 {
    %c0_i32 = arith.constant 0 : i32
    %c0_i32_0 = arith.constant 0 : i32
    return %c0_i32 : i32
  }
  func.func @transform_4(%arg0: i32) -> (i32, i32) {
    %c0_i32 = arith.constant 0 : i32
    %c0_i32_0 = arith.constant 0 : i32
    return %arg0, %c0_i32 : i32, i32
  }
}

</mosaic_0001>

<sc_bundles>
// kernel: kernel.4.cloned.1.call-start
scs
__scs_entry_jumppad:
0x0: {  	(pc) =	sbr.rel $0x88, $3  }
0x1: {  	(tag) =	ssettag $0x0;
	lr =	simm.s32 $0x1  }
0x2: {  	[smem:$0x3F9D] =	sst lr;
	_ =	strace $0xD0000000  }
0x3: {  	_ = 	snop  }
0x4: {  	_ = 	snop  }
0x5: {  	_ = 	snop  }
0x6: {  	_ = 	snop  }
0x7: {  	_ = 	snop  }
__scs_overlays_trampoline_lowered:
0x8: {  	[smem:$0x3FAC] =	sst s0  }
0x9: {  	[smem:$0x3FAD] =	sst s1  }
0xa: {  	[smem:$0x3FAE] =	sst s2  }
0xb: {  	[smem:$0x3FAF] =	sst s3  }
0xc: {  	[smem:$0x3FB0] =	sst s4  }
0xd: {  	[smem:$0x3FB1] =	sst s5  }
0xe: {  	[smem:$0x3FB2] =	sst s6  }
0xf: {  	[smem:$0x3FB3] =	sst s7  }
0x10: {  	[smem:$0x3FB4] =	sst s8  }
0x11: {  	[smem:$0x3FB5] =	sst s9;
	s0 =	simm.s32 @!p0 $0x0  }
0x12: {  	s1 =	sld [smem:$0x3F9B];
	s0 =	simm.s32 @p0 $0x1  }
0x13: {  	[smem:$0x3FB6] =	sst s0;
	s0 =	simm.s32 @!p1 $0x0  }
0x14: {  	s2 =	sld [smem:$0x3F9A];
	s0 =	simm.s32 @p1 $0x1  }
0x15: {  	[smem:$0x3FB7] =	sst s0;
	s0 =	simm.s32 @!p2 $0x0  }
0x16: {  	s3 =	sld [smem:$0x3FDB];
	s0 =	simm.s32 @p2 $0x1  }
0x17: {  	s4 =	simm.s32 $0x1BF5;
	[smem:$0x3FB9] =	sst s0  }
0x18: {  	s0 =	sld [smem:$0x3F9C];
	_ =	swait.ge [sflag:s4], $0x0  }
0x19: {  	s7 =	sld [smem:$0x3F9D]  }
0x1a: {  	s8 =	sadd.s32 $0xFFFFE003, lr  }
0x1b: {  	s9 =	sadd.s32 $0xFFFFFEF7, lr;
	s5 =	simm.s32 $0xFFFFFFFF;
	p2 =	slt.u32 s8, $0xFFFFF086  }
0x1c: {  	p1 =	slt.u32 s9, $0xF7A;
	s5 =	simm.s32 @!p2 $0x0  }
0x1d: {  	s5 =	simm.s32 @p1 $0x1;
	p0 =	seq.s32 s7, s2  }
0x1e: {  	s7 =	smul.u32 @!p0 $0xF7A, s2;
	p2 =	seq.s32 @!p0 s5, $0x0  }
0x1f: {  	s9 =	smul.u32 $0xF7A, s1;
	s8 =	simm.s32 @!p0 $0x1BF5;
	p2 =	por !p2, p0  }
0x20: {  	[sflag:s8] =	ssyncset.s32 @!p0 $0xFFFFF086;
	s6 =	sadd.s32 @!p0 s3, s7;
	s7 =	simm.s32 @!p0 $0x108  }
0x21: {  	s3 =	sadd.s32 s3, s9;
	s6 =	sadd.s32 @!p0 $0x88, s6;
	s7 =	simm.s32 @p2 $0x1082  }
0x22: {  	[simem:s7], [sflag:s8] =	dma.local @!p0 [hbm:s6], $0xF7A  }
0x23: {  	s9 =	sor.u32 $0xD0000000, s2;
	s6 =	simm.s32 $0x108;
	_ =	swait.ge @!p0 [sflag:s8], $0x0  }
0x24: {  	s3 =	sadd.s32 $0x88, s3;
	s6 =	simm.s32 @!p1 $0x1082;
	[sflag:s4] =	ssyncset.s32 $0xFFFFF086  }
0x25: {  	[simem:s6], [sflag:s4] =	dma.local [hbm:s3], $0xF7A  }
0x26: {  	[smem:$0x3F9D] =	sst s1;
	(tag) =	ssettag s2;
	_ =	strace s9  }
0x27: {  	s1 =	sld [smem:$0x3FAD]  }
0x28: {  	s2 =	sld [smem:$0x3FAE]  }
0x29: {  	s4 =	sld [smem:$0x3FB0]  }
0x2a: {  	p0 =	seq.s32 s5, $0x0;
	s5 =	sld [smem:$0x3FB1]  }
0x2b: {  	s6 =	sld [smem:$0x3FB2]  }
0x2c: {  	s7 =	sld [smem:$0x3FB3]  }
0x2d: {  	s3 =	simm.s32 $0x108;
	s8 =	sld [smem:$0x3FB4]  }
0x2e: {  	s3 =	simm.s32 @!p0 $0x1082;
	s9 =	sld [smem:$0x3FB5]  }
0x2f: {  	lr =	sadd.s32 s0, s3;
	s0 =	sld [smem:$0x3FAC]  }
0x30: {  	s3 =	sld [smem:$0x3FAF]  }
0x31: {  	[smem:$0x3FB8] =	sst s10  }
0x32: {  	s10 =	sld [smem:$0x3FB6];
	_ =	sdelay $0x3  }
0x33: {  	p0 =	seq.s32 s10, $0x1;
	s10 =	sld [smem:$0x3FB8];
	_ =	sdelay $0x3  }
0x34: {  	[smem:$0x3FB8] =	sst s10  }
0x35: {  	s10 =	sld [smem:$0x3FB7];
	_ =	sdelay $0x3  }
0x36: {  	p1 =	seq.s32 s10, $0x1;
	s10 =	sld [smem:$0x3FB8];
	_ =	sdelay $0x3  }
0x37: {  	[smem:$0x3FB8] =	sst s10  }
0x38: {  	s10 =	sld [smem:$0x3FB9]  }
0x39: {  	_ = 	snop;
	(pc) =	sbr.ind lr, $3  }
0x3a: {  	_ = 	snop  }
0x3b: {  	_ = 	snop  }
0x3c: {  	p2 =	seq.s32 s10, $0x1;
	s10 =	sld [smem:$0x3FB8]  }
0x3d: {  	_ =	shalt  }
0x3e: {  	_ =	shalt  }
0x3f: {  	_ =	shalt  }
0x40: {  	_ =	shalt  }
0x41: {  	_ =	shalt  }
0x42: {  	_ =	shalt  }
0x43: {  	_ =	shalt  }
0x44: {  	_ =	shalt  }
0x45: {  	_ =	shalt  }
0x46: {  	_ =	shalt  }
0x47: {  	_ =	shalt  }
0x48: {  	_ =	shalt  }
0x49: {  	_ =	shalt  }
0x4a: {  	_ =	shalt  }
0x4b: {  	_ =	shalt  }
0x4c: {  	_ =	shalt  }
0x4d: {  	_ =	shalt  }
0x4e: {  	_ =	shalt  }
0x4f: {  	_ =	shalt  }
0x50: {  	_ =	shalt  }
0x51: {  	_ =	shalt  }
0x52: {  	_ =	shalt  }
0x53: {  	_ =	shalt  }
0x54: {  	_ =	shalt  }
0x55: {  	_ =	shalt  }
0x56: {  	_ =	shalt  }
0x57: {  	_ =	shalt  }
0x58: {  	_ =	shalt  }
0x59: {  	_ =	shalt  }
0x5a: {  	_ =	shalt  }
0x5b: {  	_ =	shalt  }
0x5c: {  	_ =	shalt  }
0x5d: {  	_ =	shalt  }
0x5e: {  	_ =	shalt  }
0x5f: {  	_ =	shalt  }
0x60: {  	_ =	shalt  }
0x61: {  	_ =	shalt  }
0x62: {  	_ =	shalt  }
0x63: {  	_ =	shalt  }
0x64: {  	_ =	shalt  }
0x65: {  	_ =	shalt  }
0x66: {  	_ =	shalt  }
0x67: {  	_ =	shalt  }
0x68: {  	_ =	shalt  }
0x69: {  	_ =	shalt  }
0x6a: {  	_ =	shalt  }
0x6b: {  	_ =	shalt  }
0x6c: {  	_ =	shalt  }
0x6d: {  	_ =	shalt  }
0x6e: {  	_ =	shalt  }
0x6f: {  	_ =	shalt  }
0x70: {  	_ =	shalt  }
0x71: {  	_ =	shalt  }
0x72: {  	_ =	shalt  }
0x73: {  	_ =	shalt  }
0x74: {  	_ =	shalt  }
0x75: {  	_ =	shalt  }
0x76: {  	_ =	shalt  }
0x77: {  	_ =	shalt  }
0x78: {  	_ =	shalt  }
0x79: {  	_ =	shalt  }
0x7a: {  	_ =	shalt  }
0x7b: {  	_ =	shalt  }
0x7c: {  	_ =	shalt  }
0x7d: {  	_ =	shalt  }
0x7e: {  	_ =	shalt  }
0x7f: {  	_ =	shalt  }
0x80: {  	_ =	shalt  }
0x81: {  	_ =	shalt  }
0x82: {  	_ =	shalt  }
0x83: {  	_ =	shalt  }
0x84: {  	_ =	shalt  }
0x85: {  	_ =	shalt  }
0x86: {  	_ =	shalt  }
0x87: {  	_ =	shalt  }
.Lfunc_end0:
.L_simem_size_0:
called_computation_lowered:
.L_overlay_start_0:
0x88: {  	s2 =	sld [smem:$0x3FD9]  }
0x89: {  	s3 =	sld [smem:$0x3FFE];
	_ =	sdelay $0x1  }
0x8a: {  	s1 =	srdreg.scid  }
0x8b: {  	s0 =	sand.u32 $0x1, s1  }
0x8c: {  	s17 =	sshll.u32 s0, $0xA;
	s2 =	sadd.s32 s3, s2  }
0x8d: {  	s2 =	sadd.s32 s2, s17  }
0x8e: {  	[smem:$0x3FC4] =	sst s2  }
0x8f: {  	_ = 	snop  }
0x90: {  	s2 =	sld [smem:$0x3FC9];
	(tm) =	ssettm $0x1  }
0x91: {  	s18 =	sld [smem:$0x3FFB];
	_ =	sdelay $0x3  }
0x92: {  	_ =	strace s18  }
0x93: {  	s3 =	sld [smem:$0x3FFC];
	_ =	sdelay $0x3  }
0x94: {  	_ =	strace s3  }
0x95: {  	s3 =	sld [smem:$0x3FFD];
	_ =	sdelay $0x3  }
0x96: {  	_ =	strace s3  }
0x97: {  	_ =	strace $0x8FFFFFFF  }
0x98: {  	s19 =	sld [smem:$0x3FDB];
	_ =	sdelay $0x1  }
0x99: {  	s4 =	simm.s32 $_scs_section_size  }
0x9a: {  	s5 =	simm.s32 $_size__tile_overlayer_lowered;
	s6 =	simm.s32 $_tile_overlayer_lowered  }
0x9b: {  	s22 =	simm.s32 $0x1BFF;
	s21 =	sshll.u32 s6, $0x1;
	s3 =	sadd.s32 s4, s19  }
0x9c: {  	s7 =	simm.s32 $0x0;
	s20 =	sshll.u32 s5, $0x1;
	s5 =	sadd.s32 s21, s3  }
0x9d: {  	[timem:s7], [sflag:s22] =	dma.local [hbm:s5], s20  }
0x9e: {  	_ =	swait.ge [sflag:s22], s20  }
0x9f: {  	s4 =	ssub.s32 $0x0, s20;
	[sflag:s22] =	ssyncset.done $0x0  }
0xa0: {  	[sflag:s22] =	ssyncadd.s32 s4;
	_ =	sdelay $0x1  }
0xa1: {  	s23 =	simm.s32 $0x1B8B  }
0xa2: {  	_ =	swait.ge [sflag:s23], $0x1  }
0xa3: {  	[sflag:s23] =	ssyncset.done $0x0  }
0xa4: {  	s25 =	simm.s32 $0x1B8E;
	s24 =	sld [smem:$0x3FFE];
	[sflag:s23] =	ssyncadd.s32 $0xFFFFFFFF  }
0xa5: {  	s26 =	simm.s32 $execute0_lowered;
	[smem:$0x3FD2] =	sst s25  }
0xa6: {  	s5 =	sshll.u32 s26, $0x1;
	_ =	strace $0x80000046;
	[dreg:$0x1] =	wrdreg $0xFFFFFFFF  }
0xa7: {  	s28 =	simm.s32 $_size_execute0_lowered;
	s3 =	sadd.s32 s3, s5;
	[dreg:$0x0] =	wrdreg $0x0  }
0xa8: {  	s5 =	sshll.u32 s28, $0x1;
	[dreg:$0x2] =	wrdreg s3  }
0xa9: {  	[dreg:$0x3] =	wrdreg s5  }
0xaa: {  	[dreg:$0x4] =	wrdreg $0xC0  }
0xab: {  	_ =	task [dreg:s7], $0x5FFFF  }
0xac: {  	[dreg:$0x1] =	wrdreg $0xFFFFFFFF  }
0xad: {  	[dreg:$0x0] =	wrdreg $0x60  }
0xae: {  	[dreg:$0x2] =	wrdreg s2  }
0xaf: {  	[dreg:$0x3] =	wrdreg s24  }
0xb0: {  	[dreg:$0x4] =	wrdreg $0x9  }
0xb1: {  	_ =	task.clear_ibuf [dreg:s7], $0x5FFFF;
	_ =	strace $0x90000046  }
0xb2: {  	s29 =	simm.s32 $0x9;
	_ =	strace $0x80000048  }
0xb3: {  	_ =	swait.ge [sflag:s29], $0x1  }
0xb4: {  	[sflag:s29] =	ssyncadd.s32 $0xFFFFFFFF  }
0xb5: {  	_ =	strace $0x90000048  }
0xb6: {  	_ =	sfence  }
0xb7: {  	s30 =	sld [smem:$0x0];
	_ =	sdelay $0x2  }
0xb8: {  	s31 =	sshll.u32 s1, $0xD;
	s1 =	sshrl.u32 s1, $0x2  }
0xb9: {  	s3 =	sand.u32 $0x4000, s31;
	s1 =	sadd.s32 s1, s30  }
0xba: {  	s0 =	sor.u32 s3, s0;
	s1 =	sshll.u32 s1, $0x11  }
0xbb: {  	s0 =	sor.u32 s1, s0  }
0xbc: {  	s0 =	sadd.s32 $0x8F2B, s0  }
0xbd: {  	[sflag:s0] =	ssyncadd.remote.s32 $0x1  }
0xbe: {  	_ =	sfence.sel $0xFFFF  }
0xbf: {  	[dreg:$0x0] =	wrdreg $0xFFFFFFFF;
	(pc) =	sbr.abs _section_cstart, $3  }
0xc0: {  	[dreg:$0x1] =	wrdreg $0xFFFFFFFF  }
0xc1: {  	_ =	task.clear_ibuf [dreg:s7], $0x2FFFF;
	_ =	strace $0x9FFFFFFF  }
0xc2: {  	(tm) =	ssettm $0x7FFFFFFF  }
0xc3: {  	_ =	shalt  }
tec
execute0_lowered:
.L_overlay_start_1:
0x0: {  	(tag) =	ssettag $0x1  }
0x1: {  	s3 =	rddreg [dreg:$0x0]  }
0x2: {  	s5 =	rddreg [dreg:$0x1]  }
0x3: {  	s0 =	rddreg [dreg:$0x2];
	s4 =	srdreg.scid  }
0x4: {  	s2 =	simm.s32 $0x0;
	s1 =	stileid.u32;
	s4 =	sand.u32 $0x1, s4  }
0x5: {  	s6 =	sshll.u32 s1, $0xE;
	s7 =	sshll.u32 s4, $0xD;
	s30 =	ssub.s32 $0x2, s4  }
0x6: {  	[smem:$0x7FF] =	sst s2;
	s6 =	sor.u32 s7, s6;
	s8 =	sshrl.u32 s30, $0x1  }
0x7: {  	_ =	strace $0x80000047;
	s4 =	sadd.s32 s3, s6;
	s31 =	ssub.s32 s30, s8  }
0x8: {  	[tilespmem:s2], [sflag:$0x1] =	stream.linear.gather [hbm4b:s4+s2], $0x10000, $0x38;
	[tilespmem:$0x10000] =	vst v63  }
0x9: {  	s3 =	simm.s32 $0x1;
	s5 =	sadd.s32 s6, s5;
	s6 =	smax.u32 s31, $0x1  }
0xa: {  	_ =	swait.ge [sflag:s3], $0x10000;
	p0 =	sne.s32 s6, $0x1  }
.Ltmp0:
0xb: {  	[sflag:s3] =	ssyncset.done $0x0;
	(pc) =	sbr.rel @!p0 .LBB2_2-.Ltmp0, $4  }
0xc: {  	s5 =	sadd.s32 $0xA00, s5;
	[sflag:s3] =	ssyncadd.s32 $0xFFFF0000  }
0xd: {  	[hbm4b:s5+s2] =	stream.linear.scatter [tilespmem:s2], [sflag:$0x1], $0x10000, $0x38;
	[tilespmem:$0x10000] =	vst v63  }
0xe: {  	_ =	swait.ge [sflag:s3], $0x10000  }
0xf: {  	s6 =	sadd.s32 $0xFFFFFFFF, s6;
	[sflag:s3] =	ssyncset.done $0x0  }
.LBB2_1:
0x10: {  	p0 =	sne.s32 s6, $0x1;
	s6 =	sadd.s32 $0xFFFFFFFF, s6;
	[sflag:s3] =	ssyncadd.s32 $0xFFFF0000  }
0x11: {  	[tilespmem:s2], [sflag:$0x1] =	stream.linear.gather [hbm4b:s4+s2], $0x10000, $0x38;
	[tilespmem:$0x10000] =	vst v63  }
0x12: {  	_ =	swait.ge [sflag:s3], $0x10000  }
.Ltmp1:
0x13: {  	[sflag:s3] =	ssyncset.done $0x0;
	(pc) =	sbr.rel @p0 .LBB2_1-.Ltmp1, $4  }
0x14: {  	[sflag:s3] =	ssyncadd.s32 $0xFFFF0000  }
0x15: {  	[hbm4b:s5+s2] =	stream.linear.scatter [tilespmem:s2], [sflag:$0x1], $0x10000, $0x38;
	[tilespmem:$0x10000] =	vst v63  }
0x16: {  	_ =	swait.ge [sflag:s3], $0x10000  }
0x17: {  	[sflag:s3] =	ssyncset.done $0x0  }
.LBB2_2:
0x18: {  	[sflag:s3] =	ssyncadd.s32 $0xFFFF0000  }
0x19: {  	_ =	sfence.sel $0x180000  }
0x1a: {  	[bflag:$0x0] =	sbarrier.arrive $0xFFFF  }
0x1b: {  	p0 =	sne.s32 s1, $0x0;
	_ =	strace $0x90000047  }
0x1c: {  	s0 =	sadd.s32 @!p0 $0x100000, s0;
	[bflag:$0x2] =	sbarrier.arrive $0xFFFF  }
0x1d: {  	[sflag:s0] =	ssyncadd.tile.s32 @!p0 $0x1;
	_ =	shalt  }
.Lfunc_end2:
_tile_overlayer_lowered:
.L_overlay_start_2:
0x1e: {  	(tag) =	ssettag $0x2  }
0x1f: {  	s0 =	rddreg [dreg:$0x0];
	s2 =	stileid.u32  }
0x20: {  	s1 =	rddreg [dreg:$0x1];
	p0 =	sne.s32 s2, $0x0  }
0x21: {  	s3 =	rddreg [dreg:$0x2];
	[bflag:$0x3] =	sbarrier.arrive $0xFFFF;
	s2 =	simm.s32 @!p0 $0x1C01  }
0x22: {  	[timem:s3], [sflag:s2] =	dma.local @!p0 [hbm:s0], s1  }
0x23: {  	s0 =	simm.s32 @!p0 $0x1  }
0x24: {  	_ =	swait.ge @!p0 [sflag:s0], s1  }
0x25: {  	s1 =	ssub.s32 @!p0 $0x0, s1;
	[sflag:s0] =	ssyncset.done @!p0 $0x0  }
0x26: {  	[sflag:s0] =	ssyncadd.s32 @!p0 s1  }
0x27: {  	[bflag:$0x3] =	sbarrier.arrive $0xFFFF  }
0x28: {  	_ =	shalt  }

</sc_bundles>
